<compile_context>
chip_gen: v7x
topology: tpu7x:2x2x1
jax: 0.10.2.dev20260603
libtpu: 0.0.44.dev20260713+nightly
codegen_flags: <defaults>
</compile_context>

<pallas_src>
import functools

import jax
import jax.numpy as jnp
from jax import lax
from jax.experimental import pallas as pl
from jax.experimental.pallas import tpu as pltpu
from jax.experimental.pallas import tpu_sc as plsc

_BATCH = 16384
_HIDDEN = 64
_ROWS = 100001
_SPLIT = 50176
_TPK_BLK = 7168
_TPK_STEPS = _SPLIT // _TPK_BLK
_NUM_CORES = 2
_NUM_SUBCORES = 16
_NW = _NUM_CORES * _NUM_SUBCORES
_BPW = _BATCH // _NW
_CHK = _BPW // 2


def _eye(n):
    r = lax.broadcasted_iota(jnp.int32, (n, n), 0)
    c = lax.broadcasted_iota(jnp.int32, (n, n), 1)
    return (r == c).astype(jnp.float32)




def _tpk_body(a_ref, b_ref, o_ref):
    x = jnp.concatenate([a_ref[...], b_ref[...]], axis=0)
    o_ref[...] = lax.dot_general(x, _eye(2 * _HIDDEN), (((0,), (0,)), ((), ())),
                                 preferred_element_type=jnp.float32)


_tc_transpack = pl.pallas_call(
    _tpk_body,
    grid=(_TPK_STEPS,),
    in_specs=[
        pl.BlockSpec((_HIDDEN, _TPK_BLK), lambda i: (0, i)),
        pl.BlockSpec((_HIDDEN, _TPK_BLK), lambda i: (0, _TPK_STEPS + i)),
    ],
    out_specs=pl.BlockSpec((_TPK_BLK, 2 * _HIDDEN), lambda i: (i, 0)),
    out_shape=jax.ShapeDtypeStruct((_SPLIT, 2 * _HIDDEN), jnp.float32),
)


_sc_mesh = plsc.VectorSubcoreMesh(core_axis_name="c", subcore_axis_name="s")


@functools.partial(
    pl.kernel,
    out_type=jax.ShapeDtypeStruct((_BATCH, 2 * _HIDDEN), jnp.float32),
    mesh=_sc_mesh,
    scratch_types=[
        pltpu.VMEM((_BPW,), jnp.int32),
        pltpu.VMEM((_CHK, 2 * _HIDDEN), jnp.float32),
        pltpu.VMEM((_CHK, 2 * _HIDDEN), jnp.float32),
        pltpu.SemaphoreType.DMA,
        pltpu.SemaphoreType.DMA,
    ],
)
def _sc_gather(j_hbm, tab_hbm, out_hbm, idx_v, rows0_v, rows1_v, sem0, sem1):
    wid = lax.axis_index("s") * _NUM_CORES + lax.axis_index("c")
    base = wid * _BPW
    pltpu.sync_copy(j_hbm.at[pl.ds(base, _BPW)], idx_v)
    cp0 = pltpu.async_copy(tab_hbm.at[idx_v.at[pl.ds(0, _CHK)]], rows0_v, sem0)
    cp1 = pltpu.async_copy(tab_hbm.at[idx_v.at[pl.ds(_CHK, _CHK)]], rows1_v, sem1)
    cp0.wait()
    pltpu.sync_copy(rows0_v, out_hbm.at[pl.ds(base, _CHK)])
    cp1.wait()
    pltpu.sync_copy(rows1_v, out_hbm.at[pl.ds(base + _CHK, _CHK)])


_NRM_BLK = 2048


def _norm_body(raw_ref, k_ref, o_ref):
    raw_t = lax.dot_general(_eye(2 * _HIDDEN), raw_ref[...],
                            (((1,), (1,)), ((), ())),
                            preferred_element_type=jnp.float32)
    sel = jnp.where(k_ref[...] > 0.5, raw_t[_HIDDEN:, :], raw_t[:_HIDDEN, :])
    nrm2 = jnp.sum(sel * sel, axis=0, keepdims=True)
    scale = jnp.where(nrm2 > 1e-24, lax.rsqrt(nrm2), 1e12)
    o_ref[...] = sel * scale


_tc_normalize = pl.pallas_call(
    _norm_body,
    grid=(_BATCH // _NRM_BLK,),
    in_specs=[
        pl.BlockSpec((_NRM_BLK, 2 * _HIDDEN), lambda i: (i, 0)),
        pl.BlockSpec((1, _NRM_BLK), lambda i: (0, i)),
    ],
    out_specs=pl.BlockSpec((_HIDDEN, _NRM_BLK), lambda i: (0, i)),
    out_shape=jax.ShapeDtypeStruct((_HIDDEN, _BATCH), jnp.float32),
)


def kernel(user_ids, item_ids, user_table, item_table):
    uid = user_ids.astype(jnp.int32)
    iid = item_ids.astype(jnp.int32)
    uj = jnp.where(uid < _SPLIT, uid, uid - _SPLIT)
    ij = jnp.where(iid < _SPLIT, iid, iid - _SPLIT)
    uk = (uid >= _SPLIT).astype(jnp.float32).reshape(1, _BATCH)
    ik = (iid >= _SPLIT).astype(jnp.float32).reshape(1, _BATCH)
    ut = user_table.T
    it = item_table.T
    utab = _tc_transpack(ut, ut)
    uraw = _sc_gather(uj, utab)
    itab = _tc_transpack(it, it)
    iraw = _sc_gather(ij, itab)
    uo_t = _tc_normalize(uraw, uk)
    io_t = _tc_normalize(iraw, ik)
    return (uo_t.T, io_t.T)

# --- scband reference (transcript-rebuilt; emitter-appended) ---
"""Pipeline reference for scband-rec-sys-26388279066880 (READ-ONLY COPY).

The authoritative reference and input builder live on the scoring server;
editing this copy changes nothing except your own understanding.
"""

import jax, jax.numpy as jnp
import numpy as np

USER_NUM = 100000
ITEM_NUM = 100000
HIDDEN = 64
BATCH = 16384


def _l2_normalize(t):
    # mirrors F.normalize(t, p=2, dim=1) applied to the checkpoint tables
    norm = jnp.linalg.norm(t, axis=1, keepdims=True)
    return t / jnp.clip(norm, 1e-12, None)


def setup_inputs(seed: int = 0) -> dict:
    key = jax.random.key(seed)
    k1, k2, k3, k4 = jax.random.split(key, 4)
    user_ids = jax.random.randint(k1, (BATCH,), 0, USER_NUM + 1, dtype=jnp.int64)
    item_ids = jax.random.randint(k2, (BATCH,), 0, ITEM_NUM + 1, dtype=jnp.int64)
    # Frozen LightGCN E_final tables (post-propagation, as returned by
    # model.get_all_embeddings()); row 0 is the padding row.
    user_table = jax.random.normal(k3, (USER_NUM + 1, HIDDEN), dtype=jnp.float32) * 0.1
    item_table = jax.random.normal(k4, (ITEM_NUM + 1, HIDDEN), dtype=jnp.float32) * 0.1
    return {"user_ids": user_ids, "item_ids": item_ids,
            "user_table": user_table, "item_table": item_table}


def reference(user_ids, item_ids, user_table, item_table):
    # __init__ L2-normalizes the checkpoint embeddings before freezing them
    user_all = _l2_normalize(user_table)
    item_all = _l2_normalize(item_table)
    # forward: gather propagated E_final embeddings by id
    user_emb = jnp.take(user_all, user_ids, axis=0)
    item_emb = jnp.take(item_all, item_ids, axis=0)
    return (user_emb, item_emb)

if __name__ == "__main__":
    import jax
    _d = setup_inputs()
    print(jax.jit(kernel)(*tuple(_d.values())))

</pallas_src>

<mosaic_0001>
#map = affine_map<(d0, d1) -> (0)>
#map1 = affine_map<(d0, d1) -> (0, 0)>
module attributes {stable_mosaic.version = 14 : i64} {
  func.func @_sc_gather(%arg0: i32, %arg1: i32, %arg2: memref<16384xi32, #tpu.memory_space<hbm>>, %arg3: memref<50176x128xf32, #tpu.memory_space<hbm>>, %arg4: memref<16384x128xf32, #tpu.memory_space<hbm>>, %arg5: memref<512xi32, #tpu.memory_space<vmem>>, %arg6: memref<256x128xf32, #tpu.memory_space<vmem>>, %arg7: memref<256x128xf32, #tpu.memory_space<vmem>>, %arg8: memref<!tpu.dma_semaphore, #tpu.memory_space<semaphore_mem>>, %arg9: memref<!tpu.dma_semaphore, #tpu.memory_space<semaphore_mem>>) attributes {dimension_semantics = [#tpu.dimension_semantics<core_parallel>, #tpu.dimension_semantics<subcore_parallel>], iteration_bounds = array<i64: 2, 16>, scalar_prefetch = 0 : i64, scratch_operands = 5 : i64, tpu.core_type = #tpu.core_type<sc_vector_subcore>, window_params = [{transform_indices = #map}, {transform_indices = #map1}, {transform_indices = #map1}]} {
    %mul3A = arith.constant 2 : i32
    %mul3A_0 = arith.muli %arg1, %mul3A : i32
    %add3A = arith.addi %mul3A_0, %arg0 : i32
    %mul3A_1 = arith.constant 512 : i32
    %mul3A_2 = arith.muli %add3A, %mul3A_1 : i32
    "tpu.region"() ({
      %run_scoped3A = tpu.sem_alloc : memref<!tpu.dma_semaphore, #tpu.memory_space<semaphore_mem>>
      %dma_start3A_23 = tpu.memref_slice %arg2[%mul3A_2] : memref<16384xi32, #tpu.memory_space<hbm>> -> memref<512xi32, #tpu.memory_space<hbm>>
      %dma_start3A_24 = tpu.memref_slice %arg2[%mul3A_2] : memref<16384xi32, #tpu.memory_space<hbm>> -> memref<512xi32, #tpu.memory_space<hbm>>
      tpu.enqueue_dma source(%dma_start3A_24 : memref<512xi32, #tpu.memory_space<hbm>>) target(%arg5 : memref<512xi32, #tpu.memory_space<vmem>>) target_semaphore(%run_scoped3A : memref<!tpu.dma_semaphore, #tpu.memory_space<semaphore_mem>>)
      %dma_wait3A_25 = tpu.memref_slice %arg2[%mul3A_2] : memref<16384xi32, #tpu.memory_space<hbm>> -> memref<512xi32, #tpu.memory_space<hbm>>
      %dma_wait3A_26 = tpu.memref_slice %arg2[%mul3A_2] : memref<16384xi32, #tpu.memory_space<hbm>> -> memref<512xi32, #tpu.memory_space<hbm>>
      tpu.wait_dma2 semaphore(%run_scoped3A : memref<!tpu.dma_semaphore, #tpu.memory_space<semaphore_mem>>) src(%dma_wait3A_26 : memref<512xi32, #tpu.memory_space<hbm>>) dst(%arg5 : memref<512xi32, #tpu.memory_space<vmem>>)
      tpu.yield
    }) : () -> ()
    %dma_start3A = arith.constant 0 : i32
    %dma_start3A_3 = tpu.memref_slice %arg5[%dma_start3A] : memref<512xi32, #tpu.memory_space<vmem>> -> memref<256xi32, #tpu.memory_space<vmem>>
    %dma_start3A_4 = arith.constant 0 : i32
    %dma_start3A_5 = arith.constant 0 : i32
    %dma_start3A_6 = tpu.memref_slice %arg3[%dma_start3A_4, %dma_start3A_5] : memref<50176x128xf32, #tpu.memory_space<hbm>> -> memref<50176x128xf32, #tpu.memory_space<hbm>>
    tpu.enqueue_indirect_dma source(%dma_start3A_6 : memref<50176x128xf32, #tpu.memory_space<hbm>>) target(%arg6 : memref<256x128xf32, #tpu.memory_space<vmem>>) offsets(%dma_start3A_3 : memref<256xi32, #tpu.memory_space<vmem>>) semaphore(%arg8 : memref<!tpu.dma_semaphore, #tpu.memory_space<semaphore_mem>>)
    %dma_start3A_7 = arith.constant 256 : i32
    %dma_start3A_8 = tpu.memref_slice %arg5[%dma_start3A_7] : memref<512xi32, #tpu.memory_space<vmem>> -> memref<256xi32, #tpu.memory_space<vmem>>
    %dma_start3A_9 = arith.constant 0 : i32
    %dma_start3A_10 = arith.constant 0 : i32
    %dma_start3A_11 = tpu.memref_slice %arg3[%dma_start3A_9, %dma_start3A_10] : memref<50176x128xf32, #tpu.memory_space<hbm>> -> memref<50176x128xf32, #tpu.memory_space<hbm>>
    tpu.enqueue_indirect_dma source(%dma_start3A_11 : memref<50176x128xf32, #tpu.memory_space<hbm>>) target(%arg7 : memref<256x128xf32, #tpu.memory_space<vmem>>) offsets(%dma_start3A_8 : memref<256xi32, #tpu.memory_space<vmem>>) semaphore(%arg9 : memref<!tpu.dma_semaphore, #tpu.memory_space<semaphore_mem>>)
    %dma_wait3A = arith.constant 0 : i32
    %dma_wait3A_12 = tpu.memref_slice %arg5[%dma_wait3A] : memref<512xi32, #tpu.memory_space<vmem>> -> memref<256xi32, #tpu.memory_space<vmem>>
    %dma_wait3A_13 = arith.constant 0 : i32
    %dma_wait3A_14 = arith.constant 0 : i32
    %dma_wait3A_15 = tpu.memref_slice %arg3[%dma_wait3A_13, %dma_wait3A_14] : memref<50176x128xf32, #tpu.memory_space<hbm>> -> memref<50176x128xf32, #tpu.memory_space<hbm>>
    tpu.wait_indirect_dma semaphore(%arg8 : memref<!tpu.dma_semaphore, #tpu.memory_space<semaphore_mem>>) src(%dma_wait3A_15 : memref<50176x128xf32, #tpu.memory_space<hbm>>) dst(%arg6 : memref<256x128xf32, #tpu.memory_space<vmem>>)
    "tpu.region"() ({
      %run_scoped3A = tpu.sem_alloc : memref<!tpu.dma_semaphore, #tpu.memory_space<semaphore_mem>>
      %dma_start3A_23 = arith.constant 0 : i32
      %dma_start3A_24 = tpu.memref_slice %arg4[%mul3A_2, %dma_start3A_23] : memref<16384x128xf32, #tpu.memory_space<hbm>> -> memref<256x128xf32, #tpu.memory_space<hbm>>
      %dma_start3A_25 = arith.constant 0 : i32
      %dma_start3A_26 = tpu.memref_slice %arg4[%mul3A_2, %dma_start3A_25] : memref<16384x128xf32, #tpu.memory_space<hbm>> -> memref<256x128xf32, #tpu.memory_space<hbm>>
      tpu.enqueue_dma source(%arg6 : memref<256x128xf32, #tpu.memory_space<vmem>>) target(%dma_start3A_26 : memref<256x128xf32, #tpu.memory_space<hbm>>) target_semaphore(%run_scoped3A : memref<!tpu.dma_semaphore, #tpu.memory_space<semaphore_mem>>)
      %dma_wait3A_27 = arith.constant 0 : i32
      %dma_wait3A_28 = tpu.memref_slice %arg4[%mul3A_2, %dma_wait3A_27] : memref<16384x128xf32, #tpu.memory_space<hbm>> -> memref<256x128xf32, #tpu.memory_space<hbm>>
      %dma_wait3A_29 = arith.constant 0 : i32
      %dma_wait3A_30 = tpu.memref_slice %arg4[%mul3A_2, %dma_wait3A_29] : memref<16384x128xf32, #tpu.memory_space<hbm>> -> memref<256x128xf32, #tpu.memory_space<hbm>>
      tpu.wait_dma2 semaphore(%run_scoped3A : memref<!tpu.dma_semaphore, #tpu.memory_space<semaphore_mem>>) src(%arg6 : memref<256x128xf32, #tpu.memory_space<vmem>>) dst(%dma_wait3A_30 : memref<256x128xf32, #tpu.memory_space<hbm>>)
      tpu.yield
    }) : () -> ()
    %dma_wait3A_16 = arith.constant 256 : i32
    %dma_wait3A_17 = tpu.memref_slice %arg5[%dma_wait3A_16] : memref<512xi32, #tpu.memory_space<vmem>> -> memref<256xi32, #tpu.memory_space<vmem>>
    %dma_wait3A_18 = arith.constant 0 : i32
    %dma_wait3A_19 = arith.constant 0 : i32
    %dma_wait3A_20 = tpu.memref_slice %arg3[%dma_wait3A_18, %dma_wait3A_19] : memref<50176x128xf32, #tpu.memory_space<hbm>> -> memref<50176x128xf32, #tpu.memory_space<hbm>>
    tpu.wait_indirect_dma semaphore(%arg9 : memref<!tpu.dma_semaphore, #tpu.memory_space<semaphore_mem>>) src(%dma_wait3A_20 : memref<50176x128xf32, #tpu.memory_space<hbm>>) dst(%arg7 : memref<256x128xf32, #tpu.memory_space<vmem>>)
    %add3A_21 = arith.constant 256 : i32
    %add3A_22 = arith.addi %mul3A_2, %add3A_21 : i32
    "tpu.region"() ({
      %run_scoped3A = tpu.sem_alloc : memref<!tpu.dma_semaphore, #tpu.memory_space<semaphore_mem>>
      %dma_start3A_23 = arith.constant 0 : i32
      %dma_start3A_24 = tpu.memref_slice %arg4[%add3A_22, %dma_start3A_23] : memref<16384x128xf32, #tpu.memory_space<hbm>> -> memref<256x128xf32, #tpu.memory_space<hbm>>
      %dma_start3A_25 = arith.constant 0 : i32
      %dma_start3A_26 = tpu.memref_slice %arg4[%add3A_22, %dma_start3A_25] : memref<16384x128xf32, #tpu.memory_space<hbm>> -> memref<256x128xf32, #tpu.memory_space<hbm>>
      tpu.enqueue_dma source(%arg7 : memref<256x128xf32, #tpu.memory_space<vmem>>) target(%dma_start3A_26 : memref<256x128xf32, #tpu.memory_space<hbm>>) target_semaphore(%run_scoped3A : memref<!tpu.dma_semaphore, #tpu.memory_space<semaphore_mem>>)
      %dma_wait3A_27 = arith.constant 0 : i32
      %dma_wait3A_28 = tpu.memref_slice %arg4[%add3A_22, %dma_wait3A_27] : memref<16384x128xf32, #tpu.memory_space<hbm>> -> memref<256x128xf32, #tpu.memory_space<hbm>>
      %dma_wait3A_29 = arith.constant 0 : i32
      %dma_wait3A_30 = tpu.memref_slice %arg4[%add3A_22, %dma_wait3A_29] : memref<16384x128xf32, #tpu.memory_space<hbm>> -> memref<256x128xf32, #tpu.memory_space<hbm>>
      tpu.wait_dma2 semaphore(%run_scoped3A : memref<!tpu.dma_semaphore, #tpu.memory_space<semaphore_mem>>) src(%arg7 : memref<256x128xf32, #tpu.memory_space<vmem>>) dst(%dma_wait3A_30 : memref<256x128xf32, #tpu.memory_space<hbm>>)
      tpu.yield
    }) : () -> ()
    return
  }
}

#map = affine_map<(d0, d1) -> (0)>
#map1 = affine_map<(d0, d1) -> (0, 0)>
module attributes {stable_mosaic.version = 14 : i64} {
  func.func @_sc_gather(%arg0: i32, %arg1: i32, %arg2: memref<16384xi32, #tpu.memory_space<hbm>>, %arg3: memref<50176x128xf32, #tpu.memory_space<hbm>>, %arg4: memref<16384x128xf32, #tpu.memory_space<hbm>>, %arg5: memref<512xi32, #tpu.memory_space<vmem>>, %arg6: memref<256x128xf32, #tpu.memory_space<vmem>>, %arg7: memref<256x128xf32, #tpu.memory_space<vmem>>, %arg8: memref<!tpu.dma_semaphore, #tpu.memory_space<semaphore_mem>>, %arg9: memref<!tpu.dma_semaphore, #tpu.memory_space<semaphore_mem>>) attributes {dimension_semantics = [#tpu.dimension_semantics<core_parallel>, #tpu.dimension_semantics<subcore_parallel>], iteration_bounds = array<i64: 2, 16>, scalar_prefetch = 0 : i64, scratch_operands = 5 : i64, tpu.core_type = #tpu.core_type<sc_vector_subcore>, window_params = [{transform_indices = #map}, {transform_indices = #map1}, {transform_indices = #map1}]} {
    %mul3A = arith.constant 2 : i32
    %mul3A_0 = arith.muli %arg1, %mul3A : i32
    %add3A = arith.addi %mul3A_0, %arg0 : i32
    %mul3A_1 = arith.constant 512 : i32
    %mul3A_2 = arith.muli %add3A, %mul3A_1 : i32
    "tpu.region"() ({
      %run_scoped3A = tpu.sem_alloc : memref<!tpu.dma_semaphore, #tpu.memory_space<semaphore_mem>>
      %dma_start3A_23 = tpu.memref_slice %arg2[%mul3A_2] : memref<16384xi32, #tpu.memory_space<hbm>> -> memref<512xi32, #tpu.memory_space<hbm>>
      %dma_start3A_24 = tpu.memref_slice %arg2[%mul3A_2] : memref<16384xi32, #tpu.memory_space<hbm>> -> memref<512xi32, #tpu.memory_space<hbm>>
      tpu.enqueue_dma source(%dma_start3A_24 : memref<512xi32, #tpu.memory_space<hbm>>) target(%arg5 : memref<512xi32, #tpu.memory_space<vmem>>) target_semaphore(%run_scoped3A : memref<!tpu.dma_semaphore, #tpu.memory_space<semaphore_mem>>)
      %dma_wait3A_25 = tpu.memref_slice %arg2[%mul3A_2] : memref<16384xi32, #tpu.memory_space<hbm>> -> memref<512xi32, #tpu.memory_space<hbm>>
      %dma_wait3A_26 = tpu.memref_slice %arg2[%mul3A_2] : memref<16384xi32, #tpu.memory_space<hbm>> -> memref<512xi32, #tpu.memory_space<hbm>>
      tpu.wait_dma2 semaphore(%run_scoped3A : memref<!tpu.dma_semaphore, #tpu.memory_space<semaphore_mem>>) src(%dma_wait3A_26 : memref<512xi32, #tpu.memory_space<hbm>>) dst(%arg5 : memref<512xi32, #tpu.memory_space<vmem>>)
      tpu.yield
    }) : () -> ()
    %dma_start3A = arith.constant 0 : i32
    %dma_start3A_3 = tpu.memref_slice %arg5[%dma_start3A] : memref<512xi32, #tpu.memory_space<vmem>> -> memref<256xi32, #tpu.memory_space<vmem>>
    %dma_start3A_4 = arith.constant 0 : i32
    %dma_start3A_5 = arith.constant 0 : i32
    %dma_start3A_6 = tpu.memref_slice %arg3[%dma_start3A_4, %dma_start3A_5] : memref<50176x128xf32, #tpu.memory_space<hbm>> -> memref<50176x128xf32, #tpu.memory_space<hbm>>
    tpu.enqueue_indirect_dma source(%dma_start3A_6 : memref<50176x128xf32, #tpu.memory_space<hbm>>) target(%arg6 : memref<256x128xf32, #tpu.memory_space<vmem>>) offsets(%dma_start3A_3 : memref<256xi32, #tpu.memory_space<vmem>>) semaphore(%arg8 : memref<!tpu.dma_semaphore, #tpu.memory_space<semaphore_mem>>)
    %dma_start3A_7 = arith.constant 256 : i32
    %dma_start3A_8 = tpu.memref_slice %arg5[%dma_start3A_7] : memref<512xi32, #tpu.memory_space<vmem>> -> memref<256xi32, #tpu.memory_space<vmem>>
    %dma_start3A_9 = arith.constant 0 : i32
    %dma_start3A_10 = arith.constant 0 : i32
    %dma_start3A_11 = tpu.memref_slice %arg3[%dma_start3A_9, %dma_start3A_10] : memref<50176x128xf32, #tpu.memory_space<hbm>> -> memref<50176x128xf32, #tpu.memory_space<hbm>>
    tpu.enqueue_indirect_dma source(%dma_start3A_11 : memref<50176x128xf32, #tpu.memory_space<hbm>>) target(%arg7 : memref<256x128xf32, #tpu.memory_space<vmem>>) offsets(%dma_start3A_8 : memref<256xi32, #tpu.memory_space<vmem>>) semaphore(%arg9 : memref<!tpu.dma_semaphore, #tpu.memory_space<semaphore_mem>>)
    %dma_wait3A = arith.constant 0 : i32
    %dma_wait3A_12 = tpu.memref_slice %arg5[%dma_wait3A] : memref<512xi32, #tpu.memory_space<vmem>> -> memref<256xi32, #tpu.memory_space<vmem>>
    %dma_wait3A_13 = arith.constant 0 : i32
    %dma_wait3A_14 = arith.constant 0 : i32
    %dma_wait3A_15 = tpu.memref_slice %arg3[%dma_wait3A_13, %dma_wait3A_14] : memref<50176x128xf32, #tpu.memory_space<hbm>> -> memref<50176x128xf32, #tpu.memory_space<hbm>>
    tpu.wait_indirect_dma semaphore(%arg8 : memref<!tpu.dma_semaphore, #tpu.memory_space<semaphore_mem>>) src(%dma_wait3A_15 : memref<50176x128xf32, #tpu.memory_space<hbm>>) dst(%arg6 : memref<256x128xf32, #tpu.memory_space<vmem>>)
    "tpu.region"() ({
      %run_scoped3A = tpu.sem_alloc : memref<!tpu.dma_semaphore, #tpu.memory_space<semaphore_mem>>
      %dma_start3A_23 = arith.constant 0 : i32
      %dma_start3A_24 = tpu.memref_slice %arg4[%mul3A_2, %dma_start3A_23] : memref<16384x128xf32, #tpu.memory_space<hbm>> -> memref<256x128xf32, #tpu.memory_space<hbm>>
      %dma_start3A_25 = arith.constant 0 : i32
      %dma_start3A_26 = tpu.memref_slice %arg4[%mul3A_2, %dma_start3A_25] : memref<16384x128xf32, #tpu.memory_space<hbm>> -> memref<256x128xf32, #tpu.memory_space<hbm>>
      tpu.enqueue_dma source(%arg6 : memref<256x128xf32, #tpu.memory_space<vmem>>) target(%dma_start3A_26 : memref<256x128xf32, #tpu.memory_space<hbm>>) target_semaphore(%run_scoped3A : memref<!tpu.dma_semaphore, #tpu.memory_space<semaphore_mem>>)
      %dma_wait3A_27 = arith.constant 0 : i32
      %dma_wait3A_28 = tpu.memref_slice %arg4[%mul3A_2, %dma_wait3A_27] : memref<16384x128xf32, #tpu.memory_space<hbm>> -> memref<256x128xf32, #tpu.memory_space<hbm>>
      %dma_wait3A_29 = arith.constant 0 : i32
      %dma_wait3A_30 = tpu.memref_slice %arg4[%mul3A_2, %dma_wait3A_29] : memref<16384x128xf32, #tpu.memory_space<hbm>> -> memref<256x128xf32, #tpu.memory_space<hbm>>
      tpu.wait_dma2 semaphore(%run_scoped3A : memref<!tpu.dma_semaphore, #tpu.memory_space<semaphore_mem>>) src(%arg6 : memref<256x128xf32, #tpu.memory_space<vmem>>) dst(%dma_wait3A_30 : memref<256x128xf32, #tpu.memory_space<hbm>>)
      tpu.yield
    }) : () -> ()
    %dma_wait3A_16 = arith.constant 256 : i32
    %dma_wait3A_17 = tpu.memref_slice %arg5[%dma_wait3A_16] : memref<512xi32, #tpu.memory_space<vmem>> -> memref<256xi32, #tpu.memory_space<vmem>>
    %dma_wait3A_18 = arith.constant 0 : i32
    %dma_wait3A_19 = arith.constant 0 : i32
    %dma_wait3A_20 = tpu.memref_slice %arg3[%dma_wait3A_18, %dma_wait3A_19] : memref<50176x128xf32, #tpu.memory_space<hbm>> -> memref<50176x128xf32, #tpu.memory_space<hbm>>
    tpu.wait_indirect_dma semaphore(%arg9 : memref<!tpu.dma_semaphore, #tpu.memory_space<semaphore_mem>>) src(%dma_wait3A_20 : memref<50176x128xf32, #tpu.memory_space<hbm>>) dst(%arg7 : memref<256x128xf32, #tpu.memory_space<vmem>>)
    %add3A_21 = arith.constant 256 : i32
    %add3A_22 = arith.addi %mul3A_2, %add3A_21 : i32
    "tpu.region"() ({
      %run_scoped3A = tpu.sem_alloc : memref<!tpu.dma_semaphore, #tpu.memory_space<semaphore_mem>>
      %dma_start3A_23 = arith.constant 0 : i32
      %dma_start3A_24 = tpu.memref_slice %arg4[%add3A_22, %dma_start3A_23] : memref<16384x128xf32, #tpu.memory_space<hbm>> -> memref<256x128xf32, #tpu.memory_space<hbm>>
      %dma_start3A_25 = arith.constant 0 : i32
      %dma_start3A_26 = tpu.memref_slice %arg4[%add3A_22, %dma_start3A_25] : memref<16384x128xf32, #tpu.memory_space<hbm>> -> memref<256x128xf32, #tpu.memory_space<hbm>>
      tpu.enqueue_dma source(%arg7 : memref<256x128xf32, #tpu.memory_space<vmem>>) target(%dma_start3A_26 : memref<256x128xf32, #tpu.memory_space<hbm>>) target_semaphore(%run_scoped3A : memref<!tpu.dma_semaphore, #tpu.memory_space<semaphore_mem>>)
      %dma_wait3A_27 = arith.constant 0 : i32
      %dma_wait3A_28 = tpu.memref_slice %arg4[%add3A_22, %dma_wait3A_27] : memref<16384x128xf32, #tpu.memory_space<hbm>> -> memref<256x128xf32, #tpu.memory_space<hbm>>
      %dma_wait3A_29 = arith.constant 0 : i32
      %dma_wait3A_30 = tpu.memref_slice %arg4[%add3A_22, %dma_wait3A_29] : memref<16384x128xf32, #tpu.memory_space<hbm>> -> memref<256x128xf32, #tpu.memory_space<hbm>>
      tpu.wait_dma2 semaphore(%run_scoped3A : memref<!tpu.dma_semaphore, #tpu.memory_space<semaphore_mem>>) src(%arg7 : memref<256x128xf32, #tpu.memory_space<vmem>>) dst(%dma_wait3A_30 : memref<256x128xf32, #tpu.memory_space<hbm>>)
      tpu.yield
    }) : () -> ()
    return
  }
}

module attributes {stable_mosaic.version = 14 : i64} {
  func.func @_tpk_body(%arg0: i32, %arg1: memref<64x7168xf32, #tpu.memory_space<vmem>>, %arg2: memref<64x7168xf32, #tpu.memory_space<vmem>>, %arg3: memref<7168x128xf32, #tpu.memory_space<vmem>>) attributes {dimension_semantics = [#tpu.dimension_semantics<arbitrary>], iteration_bounds = array<i64: 7>, scalar_prefetch = 0 : i64, scratch_operands = 0 : i64, tpu.core_type = #tpu.core_type<tc>, window_params = [{transform_indices = @transform_0, window_bounds = array<i64: 64, 7168>}, {transform_indices = @transform_1, window_bounds = array<i64: 64, 7168>}, {transform_indices = @transform_2, window_bounds = array<i64: 7168, 128>}]} {
    %get3A = arith.constant 0 : index
    %get3A_0 = arith.constant 0 : index
    %get3A_1 = vector.load %arg1[%get3A, %get3A_0] : memref<64x7168xf32, #tpu.memory_space<vmem>>, vector<64x7168xf32>
    %get3A_2 = arith.constant 0 : index
    %get3A_3 = arith.constant 0 : index
    %get3A_4 = vector.load %arg2[%get3A_2, %get3A_3] : memref<64x7168xf32, #tpu.memory_space<vmem>>, vector<64x7168xf32>
    %concatenate3A = tpu.concatenate %get3A_1, %get3A_4 in 0 : vector<64x7168xf32>, vector<64x7168xf32> -> vector<128x7168xf32>
    %iota3A = tpu.iota {dimensions = array<i32: 0>} : vector<128x128xi32>
    %iota3A_5 = tpu.iota {dimensions = array<i32: 1>} : vector<128x128xi32>
    %eq3A = arith.cmpi eq, %iota3A, %iota3A_5 : vector<128x128xi32>
    %convert_element_type3A = arith.extui %eq3A : vector<128x128xi1> to vector<128x128xi32>
    %convert_element_type3A_6 = arith.sitofp %convert_element_type3A : vector<128x128xi32> to vector<128x128xf32>
    %dot_general3A = arith.constant dense<0.000000e+00> : vector<7168x128xf32>
    %dot_general3A_7 = tpu.matmul %concatenate3A, %convert_element_type3A_6, %dot_general3A {dimension_numbers = #tpu.dot_dimension_numbers<[0], [0], [1], [1], [0, 1, 1, 1], [], []>, transpose_lhs_hint = false} : vector<128x7168xf32>, vector<128x128xf32>, vector<7168x128xf32> -> vector<7168x128xf32>
    %swap3A = arith.constant 0 : index
    %swap3A_8 = arith.constant 0 : index
    %swap3A_9 = vector.load %arg3[%swap3A, %swap3A_8] : memref<7168x128xf32, #tpu.memory_space<vmem>>, vector<7168x128xf32>
    tpu.vector_store %arg3[%swap3A, %swap3A_8], %dot_general3A_7 {strides = array<i32>} : memref<7168x128xf32, #tpu.memory_space<vmem>>, vector<7168x128xf32>,
    return
  }
  func.func @transform_0(%arg0: i32) -> (i32, i32) {
    %c0_i32 = arith.constant 0 : i32
    %c0_i32_0 = arith.constant 0 : i32
    return %c0_i32, %arg0 : i32, i32
  }
  func.func @transform_1(%arg0: i32) -> (i32, i32) {
    %add3A = arith.constant 7 : i32
    %add3A_0 = arith.addi %add3A, %arg0 : i32
    %c0_i32 = arith.constant 0 : i32
    %c0_i32_1 = arith.constant 0 : i32
    return %c0_i32, %add3A_0 : i32, i32
  }
  func.func @transform_2(%arg0: i32) -> (i32, i32) {
    %c0_i32 = arith.constant 0 : i32
    %c0_i32_0 = arith.constant 0 : i32
    return %arg0, %c0_i32 : i32, i32
  }
}

module attributes {stable_mosaic.version = 14 : i64} {
  func.func @_norm_body(%arg0: i32, %arg1: memref<2048x128xf32, #tpu.memory_space<vmem>>, %arg2: memref<1x2048xf32, #tpu.memory_space<vmem>>, %arg3: memref<64x2048xf32, #tpu.memory_space<vmem>>) attributes {dimension_semantics = [#tpu.dimension_semantics<arbitrary>], iteration_bounds = array<i64: 8>, scalar_prefetch = 0 : i64, scratch_operands = 0 : i64, tpu.core_type = #tpu.core_type<tc>, window_params = [{transform_indices = @transform_0, window_bounds = array<i64: 2048, 128>}, {transform_indices = @transform_1, window_bounds = array<i64: 1, 2048>}, {transform_indices = @transform_2, window_bounds = array<i64: 64, 2048>}]} {
    %iota3A = tpu.iota {dimensions = array<i32: 0>} : vector<128x128xi32>
    %iota3A_0 = tpu.iota {dimensions = array<i32: 1>} : vector<128x128xi32>
    %eq3A = arith.cmpi eq, %iota3A, %iota3A_0 : vector<128x128xi32>
    %convert_element_type3A = arith.extui %eq3A : vector<128x128xi1> to vector<128x128xi32>
    %convert_element_type3A_1 = arith.sitofp %convert_element_type3A : vector<128x128xi32> to vector<128x128xf32>
    %get3A = arith.constant 0 : index
    %get3A_2 = arith.constant 0 : index
    %get3A_3 = vector.load %arg1[%get3A, %get3A_2] : memref<2048x128xf32, #tpu.memory_space<vmem>>, vector<2048x128xf32>
    %dot_general3A = arith.constant dense<0.000000e+00> : vector<128x2048xf32>
    %dot_general3A_4 = tpu.matmul %convert_element_type3A_1, %get3A_3, %dot_general3A {dimension_numbers = #tpu.dot_dimension_numbers<[1], [1], [0], [0], [0, 0, 1, 0], [], []>, transpose_lhs_hint = false} : vector<128x128xf32>, vector<2048x128xf32>, vector<128x2048xf32> -> vector<128x2048xf32>
    %get3A_5 = arith.constant 0 : index
    %get3A_6 = arith.constant 0 : index
    %get3A_7 = vector.load %arg2[%get3A_5, %get3A_6] : memref<1x2048xf32, #tpu.memory_space<vmem>>, vector<1x2048xf32>
    %gt3A = arith.constant 5.000000e-01 : f32
    %gt3A_8 = vector.broadcast %gt3A : f32 to vector<1x2048xf32>
    %gt3A_9 = arith.cmpf ogt, %get3A_7, %gt3A_8 : vector<1x2048xf32>
    %slice3A = vector.extract_strided_slice %dot_general3A_4 {offsets = [64, 0], sizes = [64, 2048], strides = [1, 1]} : vector<128x2048xf32> to vector<64x2048xf32>
    %slice3A_10 = vector.extract_strided_slice %dot_general3A_4 {offsets = [0, 0], sizes = [64, 2048], strides = [1, 1]} : vector<128x2048xf32> to vector<64x2048xf32>
    %broadcast_in_dim3A = vector.shape_cast %gt3A_9 : vector<1x2048xi1> to vector<1x2048xi1>
    %broadcast_in_dim3A_11 = vector.broadcast %broadcast_in_dim3A : vector<1x2048xi1> to vector<64x2048xi1>
    %select_n3A = arith.select %broadcast_in_dim3A_11, %slice3A, %slice3A_10 : vector<64x2048xi1>, vector<64x2048xf32>
    %mul3A = arith.mulf %select_n3A, %select_n3A : vector<64x2048xf32>
    %reduce_sum3A = arith.constant dense<0.000000e+00> : vector<2048xf32>
    %reduce_sum3A_12 = vector.multi_reduction <add>, %mul3A, %reduce_sum3A [0] : vector<64x2048xf32> to vector<2048xf32>
    %broadcast_in_dim3A_13 = vector.shape_cast %reduce_sum3A_12 : vector<2048xf32> to vector<1x2048xf32>
    %gt3A_14 = arith.constant 1.000000e-24 : f32
    %gt3A_15 = vector.broadcast %gt3A_14 : f32 to vector<1x2048xf32>
    %gt3A_16 = arith.cmpf ogt, %broadcast_in_dim3A_13, %gt3A_15 : vector<1x2048xf32>
    %rsqrt3A = math.rsqrt %broadcast_in_dim3A_13 : vector<1x2048xf32>
    %jit3A = arith.constant 9.99999995E+11 : f32
    %broadcast_in_dim3A_17 = vector.broadcast %jit3A : f32 to vector<1x2048xf32>
    %select_n3A_18 = arith.select %gt3A_16, %rsqrt3A, %broadcast_in_dim3A_17 : vector<1x2048xi1>, vector<1x2048xf32>
    %mul3A_19 = vector.broadcast %select_n3A_18 : vector<1x2048xf32> to vector<64x2048xf32>
    %mul3A_20 = arith.mulf %select_n3A, %mul3A_19 : vector<64x2048xf32>
    %swap3A = arith.constant 0 : index
    %swap3A_21 = arith.constant 0 : index
    %swap3A_22 = vector.load %arg3[%swap3A, %swap3A_21] : memref<64x2048xf32, #tpu.memory_space<vmem>>, vector<64x2048xf32>
    tpu.vector_store %arg3[%swap3A, %swap3A_21], %mul3A_20 {strides = array<i32>} : memref<64x2048xf32, #tpu.memory_space<vmem>>, vector<64x2048xf32>,
    return
  }
  func.func @transform_0(%arg0: i32) -> (i32, i32) {
    %c0_i32 = arith.constant 0 : i32
    %c0_i32_0 = arith.constant 0 : i32
    return %arg0, %c0_i32 : i32, i32
  }
  func.func @transform_1(%arg0: i32) -> (i32, i32) {
    %c0_i32 = arith.constant 0 : i32
    %c0_i32_0 = arith.constant 0 : i32
    return %c0_i32, %arg0 : i32, i32
  }
  func.func @transform_2(%arg0: i32) -> (i32, i32) {
    %c0_i32 = arith.constant 0 : i32
    %c0_i32_0 = arith.constant 0 : i32
    return %c0_i32, %arg0 : i32, i32
  }
}

</mosaic_0001>

<sc_bundles>
// kernel: kernel.11.cloned.1.call-start
scs
__scs_entry_jumppad:
0x0: {  	(pc) =	sbr.rel $0x88, $3  }
0x1: {  	(tag) =	ssettag $0x0;
	lr =	simm.s32 $0x1  }
0x2: {  	[smem:$0x3F9D] =	sst lr;
	_ =	strace $0xD0000000  }
0x3: {  	_ = 	snop  }
0x4: {  	_ = 	snop  }
0x5: {  	_ = 	snop  }
0x6: {  	_ = 	snop  }
0x7: {  	_ = 	snop  }
__scs_overlays_trampoline_lowered:
0x8: {  	[smem:$0x3FAC] =	sst s0  }
0x9: {  	[smem:$0x3FAD] =	sst s1  }
0xa: {  	[smem:$0x3FAE] =	sst s2  }
0xb: {  	[smem:$0x3FAF] =	sst s3  }
0xc: {  	[smem:$0x3FB0] =	sst s4  }
0xd: {  	[smem:$0x3FB1] =	sst s5  }
0xe: {  	[smem:$0x3FB2] =	sst s6  }
0xf: {  	[smem:$0x3FB3] =	sst s7  }
0x10: {  	[smem:$0x3FB4] =	sst s8  }
0x11: {  	[smem:$0x3FB5] =	sst s9;
	s0 =	simm.s32 @!p0 $0x0  }
0x12: {  	s1 =	sld [smem:$0x3F9B];
	s0 =	simm.s32 @p0 $0x1  }
0x13: {  	[smem:$0x3FB6] =	sst s0;
	s0 =	simm.s32 @!p1 $0x0  }
0x14: {  	s2 =	sld [smem:$0x3F9A];
	s0 =	simm.s32 @p1 $0x1  }
0x15: {  	[smem:$0x3FB7] =	sst s0;
	s0 =	simm.s32 @!p2 $0x0  }
0x16: {  	s3 =	sld [smem:$0x3FDB];
	s0 =	simm.s32 @p2 $0x1  }
0x17: {  	s4 =	simm.s32 $0x1BF5;
	[smem:$0x3FB9] =	sst s0  }
0x18: {  	s0 =	sld [smem:$0x3F9C];
	_ =	swait.ge [sflag:s4], $0x0  }
0x19: {  	s7 =	sld [smem:$0x3F9D]  }
0x1a: {  	s8 =	sadd.s32 $0xFFFFE003, lr  }
0x1b: {  	s9 =	sadd.s32 $0xFFFFFEF7, lr;
	s5 =	simm.s32 $0xFFFFFFFF;
	p2 =	slt.u32 s8, $0xFFFFF086  }
0x1c: {  	p1 =	slt.u32 s9, $0xF7A;
	s5 =	simm.s32 @!p2 $0x0  }
0x1d: {  	s5 =	simm.s32 @p1 $0x1;
	p0 =	seq.s32 s7, s2  }
0x1e: {  	s7 =	smul.u32 @!p0 $0xF7A, s2;
	p2 =	seq.s32 @!p0 s5, $0x0  }
0x1f: {  	s9 =	smul.u32 $0xF7A, s1;
	s8 =	simm.s32 @!p0 $0x1BF5;
	p2 =	por !p2, p0  }
0x20: {  	[sflag:s8] =	ssyncset.s32 @!p0 $0xFFFFF086;
	s6 =	sadd.s32 @!p0 s3, s7;
	s7 =	simm.s32 @!p0 $0x108  }
0x21: {  	s3 =	sadd.s32 s3, s9;
	s6 =	sadd.s32 @!p0 $0x88, s6;
	s7 =	simm.s32 @p2 $0x1082  }
0x22: {  	[simem:s7], [sflag:s8] =	dma.local @!p0 [hbm:s6], $0xF7A  }
0x23: {  	s9 =	sor.u32 $0xD0000000, s2;
	s6 =	simm.s32 $0x108;
	_ =	swait.ge @!p0 [sflag:s8], $0x0  }
0x24: {  	s3 =	sadd.s32 $0x88, s3;
	s6 =	simm.s32 @!p1 $0x1082;
	[sflag:s4] =	ssyncset.s32 $0xFFFFF086  }
0x25: {  	[simem:s6], [sflag:s4] =	dma.local [hbm:s3], $0xF7A  }
0x26: {  	[smem:$0x3F9D] =	sst s1;
	(tag) =	ssettag s2;
	_ =	strace s9  }
0x27: {  	s1 =	sld [smem:$0x3FAD]  }
0x28: {  	s2 =	sld [smem:$0x3FAE]  }
0x29: {  	s4 =	sld [smem:$0x3FB0]  }
0x2a: {  	p0 =	seq.s32 s5, $0x0;
	s5 =	sld [smem:$0x3FB1]  }
0x2b: {  	s6 =	sld [smem:$0x3FB2]  }
0x2c: {  	s7 =	sld [smem:$0x3FB3]  }
0x2d: {  	s3 =	simm.s32 $0x108;
	s8 =	sld [smem:$0x3FB4]  }
0x2e: {  	s3 =	simm.s32 @!p0 $0x1082;
	s9 =	sld [smem:$0x3FB5]  }
0x2f: {  	lr =	sadd.s32 s0, s3;
	s0 =	sld [smem:$0x3FAC]  }
0x30: {  	s3 =	sld [smem:$0x3FAF]  }
0x31: {  	[smem:$0x3FB8] =	sst s10  }
0x32: {  	s10 =	sld [smem:$0x3FB6];
	_ =	sdelay $0x3  }
0x33: {  	p0 =	seq.s32 s10, $0x1;
	s10 =	sld [smem:$0x3FB8];
	_ =	sdelay $0x3  }
0x34: {  	[smem:$0x3FB8] =	sst s10  }
0x35: {  	s10 =	sld [smem:$0x3FB7];
	_ =	sdelay $0x3  }
0x36: {  	p1 =	seq.s32 s10, $0x1;
	s10 =	sld [smem:$0x3FB8];
	_ =	sdelay $0x3  }
0x37: {  	[smem:$0x3FB8] =	sst s10  }
0x38: {  	s10 =	sld [smem:$0x3FB9]  }
0x39: {  	_ = 	snop;
	(pc) =	sbr.ind lr, $3  }
0x3a: {  	_ = 	snop  }
0x3b: {  	_ = 	snop  }
0x3c: {  	p2 =	seq.s32 s10, $0x1;
	s10 =	sld [smem:$0x3FB8]  }
0x3d: {  	_ =	shalt  }
0x3e: {  	_ =	shalt  }
0x3f: {  	_ =	shalt  }
0x40: {  	_ =	shalt  }
0x41: {  	_ =	shalt  }
0x42: {  	_ =	shalt  }
0x43: {  	_ =	shalt  }
0x44: {  	_ =	shalt  }
0x45: {  	_ =	shalt  }
0x46: {  	_ =	shalt  }
0x47: {  	_ =	shalt  }
0x48: {  	_ =	shalt  }
0x49: {  	_ =	shalt  }
0x4a: {  	_ =	shalt  }
0x4b: {  	_ =	shalt  }
0x4c: {  	_ =	shalt  }
0x4d: {  	_ =	shalt  }
0x4e: {  	_ =	shalt  }
0x4f: {  	_ =	shalt  }
0x50: {  	_ =	shalt  }
0x51: {  	_ =	shalt  }
0x52: {  	_ =	shalt  }
0x53: {  	_ =	shalt  }
0x54: {  	_ =	shalt  }
0x55: {  	_ =	shalt  }
0x56: {  	_ =	shalt  }
0x57: {  	_ =	shalt  }
0x58: {  	_ =	shalt  }
0x59: {  	_ =	shalt  }
0x5a: {  	_ =	shalt  }
0x5b: {  	_ =	shalt  }
0x5c: {  	_ =	shalt  }
0x5d: {  	_ =	shalt  }
0x5e: {  	_ =	shalt  }
0x5f: {  	_ =	shalt  }
0x60: {  	_ =	shalt  }
0x61: {  	_ =	shalt  }
0x62: {  	_ =	shalt  }
0x63: {  	_ =	shalt  }
0x64: {  	_ =	shalt  }
0x65: {  	_ =	shalt  }
0x66: {  	_ =	shalt  }
0x67: {  	_ =	shalt  }
0x68: {  	_ =	shalt  }
0x69: {  	_ =	shalt  }
0x6a: {  	_ =	shalt  }
0x6b: {  	_ =	shalt  }
0x6c: {  	_ =	shalt  }
0x6d: {  	_ =	shalt  }
0x6e: {  	_ =	shalt  }
0x6f: {  	_ =	shalt  }
0x70: {  	_ =	shalt  }
0x71: {  	_ =	shalt  }
0x72: {  	_ =	shalt  }
0x73: {  	_ =	shalt  }
0x74: {  	_ =	shalt  }
0x75: {  	_ =	shalt  }
0x76: {  	_ =	shalt  }
0x77: {  	_ =	shalt  }
0x78: {  	_ =	shalt  }
0x79: {  	_ =	shalt  }
0x7a: {  	_ =	shalt  }
0x7b: {  	_ =	shalt  }
0x7c: {  	_ =	shalt  }
0x7d: {  	_ =	shalt  }
0x7e: {  	_ =	shalt  }
0x7f: {  	_ =	shalt  }
0x80: {  	_ =	shalt  }
0x81: {  	_ =	shalt  }
0x82: {  	_ =	shalt  }
0x83: {  	_ =	shalt  }
0x84: {  	_ =	shalt  }
0x85: {  	_ =	shalt  }
0x86: {  	_ =	shalt  }
0x87: {  	_ =	shalt  }
.Lfunc_end0:
.L_simem_size_0:
called_computation.1_lowered:
.L_overlay_start_0:
0x88: {  	s2 =	sld [smem:$0x3FD9]  }
0x89: {  	s3 =	sld [smem:$0x3FFE];
	_ =	sdelay $0x1  }
0x8a: {  	s1 =	srdreg.scid  }
0x8b: {  	s0 =	sand.u32 $0x1, s1  }
0x8c: {  	s17 =	sshll.u32 s0, $0xA;
	s2 =	sadd.s32 s3, s2  }
0x8d: {  	s2 =	sadd.s32 s2, s17  }
0x8e: {  	[smem:$0x3FC4] =	sst s2  }
0x8f: {  	_ = 	snop  }
0x90: {  	(tm) =	ssettm $0x1  }
0x91: {  	s18 =	sld [smem:$0x3FFB];
	_ =	sdelay $0x3  }
0x92: {  	_ =	strace s18  }
0x93: {  	s2 =	sld [smem:$0x3FFC];
	_ =	sdelay $0x3  }
0x94: {  	_ =	strace s2  }
0x95: {  	s2 =	sld [smem:$0x3FFD];
	_ =	sdelay $0x3  }
0x96: {  	_ =	strace s2  }
0x97: {  	_ =	strace $0x8FFFFFFF  }
0x98: {  	s19 =	sld [smem:$0x3FDB];
	_ =	sdelay $0x1  }
0x99: {  	s20 =	simm.s32 $_scs_section_size  }
0x9a: {  	s4 =	simm.s32 $_size__tile_overlayer_lowered;
	s5 =	simm.s32 $_tile_overlayer_lowered  }
0x9b: {  	s6 =	simm.s32 $0x1BFF;
	s21 =	sshll.u32 s5, $0x1;
	s3 =	sadd.s32 s20, s19  }
0x9c: {  	s22 =	simm.s32 $0x0;
	s4 =	sshll.u32 s4, $0x1;
	s5 =	sadd.s32 s21, s3  }
0x9d: {  	[timem:s22], [sflag:s6] =	dma.local [hbm:s5], s4  }
0x9e: {  	_ =	swait.ge [sflag:s6], s4  }
0x9f: {  	s4 =	ssub.s32 $0x0, s4;
	[sflag:s6] =	ssyncset.done $0x0  }
0xa0: {  	[sflag:s6] =	ssyncadd.s32 s4;
	_ =	sdelay $0x1  }
0xa1: {  	s23 =	simm.s32 $0x1B8B  }
0xa2: {  	_ =	swait.ge [sflag:s23], $0x1  }
0xa3: {  	[sflag:s23] =	ssyncset.done $0x0  }
0xa4: {  	[sflag:s23] =	ssyncadd.s32 $0xFFFFFFFF  }
0xa5: {  	s4 =	sld [smem:$0x0]  }
0xa6: {  	s5 =	sand.u32 $0xFFFFFFFE, s1  }
0xa7: {  	p0 =	sne.s32 s1, s5  }
0xa8: {  	s5 =	sshll.u32 @p0 s5, $0xE  }
0xa9: {  	s5 =	sadd.s32 @p0 $0x11B8D, s5;
	s6 =	sshll.u32 @p0 s4, $0x11  }
0xaa: {  	s5 =	sor.u32 @p0 s6, s5  }
0xab: {  	[sflag:s5] =	ssyncadd.remote.s32 @p0 $0x1;
	_ =	sdelay $0x1  }
0xac: {  	s5 =	simm.s32 @p0 $0x1B8D  }
0xad: {  	_ =	swait.eq @p0 [sflag:s5], $0x1  }
0xae: {  	[sflag:s5] =	ssyncadd.s32 @p0 $0xFFFFFFFF  }
0xaf: {  	s6 =	sshll.u32 @!p0 s1, $0xE  }
0xb0: {  	s6 =	sor.u32 @!p0 $0x4000, s6;
	s5 =	simm.s32 @!p0 $0x1B8D  }
0xb1: {  	s4 =	sshll.u32 @!p0 s4, $0x11;
	s6 =	sadd.s32 @!p0 $0x11B8D, s6;
	_ =	swait.eq @!p0 [sflag:s5], $0x1  }
0xb2: {  	s4 =	sor.u32 @!p0 s4, s6;
	[sflag:s5] =	ssyncadd.s32 @!p0 $0xFFFFFFFF  }
0xb3: {  	s25 =	simm.s32 $0x1B8E;
	s24 =	sld [smem:$0x3FFE];
	[sflag:s4] =	ssyncadd.remote.s32 @!p0 $0x1  }
0xb4: {  	s26 =	simm.s32 $execute0_lowered;
	[smem:$0x3FD2] =	sst s25  }
0xb5: {  	s5 =	sshll.u32 s26, $0x1;
	_ =	strace $0x80000049;
	[dreg:$0x1] =	wrdreg $0xFFFFFFFF  }
0xb6: {  	s28 =	simm.s32 $_size_execute0_lowered;
	s3 =	sadd.s32 s3, s5;
	[dreg:$0x0] =	wrdreg $0x0  }
0xb7: {  	s5 =	sshll.u32 s28, $0x1;
	[dreg:$0x2] =	wrdreg s3  }
0xb8: {  	[dreg:$0x3] =	wrdreg s5  }
0xb9: {  	[dreg:$0x4] =	wrdreg $0xC0  }
0xba: {  	_ =	task [dreg:s22], $0x5FFFF  }
0xbb: {  	[dreg:$0x1] =	wrdreg $0xFFFFFFFF  }
0xbc: {  	[dreg:$0x0] =	wrdreg $0x60  }
0xbd: {  	[dreg:$0x2] =	wrdreg s24  }
0xbe: {  	[dreg:$0x3] =	wrdreg $0xA  }
0xbf: {  	_ =	task.clear_ibuf [dreg:s22], $0x4FFFF;
	_ =	strace $0x90000049  }
0xc0: {  	s29 =	simm.s32 $0xA;
	_ =	strace $0x8000004B  }
0xc1: {  	_ =	swait.ge [sflag:s29], $0x1  }
0xc2: {  	[sflag:s29] =	ssyncadd.s32 $0xFFFFFFFF  }
0xc3: {  	_ =	strace $0x9000004B  }
0xc4: {  	_ =	sfence  }
0xc5: {  	s30 =	sld [smem:$0x0];
	_ =	sdelay $0x2  }
0xc6: {  	s31 =	sshll.u32 s1, $0xD;
	s1 =	sshrl.u32 s1, $0x2  }
0xc7: {  	s4 =	sand.u32 $0x4000, s31;
	s1 =	sadd.s32 s1, s30  }
0xc8: {  	s0 =	sor.u32 s4, s0;
	s1 =	sshll.u32 s1, $0x11  }
0xc9: {  	s0 =	sor.u32 s1, s0  }
0xca: {  	s0 =	sadd.s32 $0x8F2B, s0  }
0xcb: {  	[sflag:s0] =	ssyncadd.remote.s32 $0x1  }
0xcc: {  	_ =	sfence.sel $0xFFFF  }
0xcd: {  	[dreg:$0x0] =	wrdreg $0xFFFFFFFF;
	(pc) =	sbr.abs _section_cstart, $3  }
0xce: {  	[dreg:$0x1] =	wrdreg $0xFFFFFFFF  }
0xcf: {  	_ =	task.clear_ibuf [dreg:s22], $0x2FFFF;
	_ =	strace $0x9FFFFFFF  }
0xd0: {  	(tm) =	ssettm $0x7FFFFFFF  }
0xd1: {  	_ =	shalt  }
tec
execute0_lowered:
.L_overlay_start_1:
0x0: {  	(tag) =	ssettag $0x1  }
0x1: {  	s1 =	srdreg.scid  }
0x2: {  	s0 =	stileid.u32;
	s11 =	sand.u32 $0x1, s1  }
0x3: {  	s31 =	sshll.u32 s0, $0xA;
	s2 =	sshll.u32 s11, $0x9  }
0x4: {  	s10 =	rddreg [dreg:$0x0];
	s12 =	sor.u32 s2, s31  }
0x5: {  	s1 =	rddreg [dreg:$0x1];
	s2 =	simm.s32 $0x0;
	s3 =	sshrl.u32 s12, $0x3  }
0x6: {  	[smem:$0x7FF] =	sst s2;
	s3 =	sadd.s32 s3, s10  }
0x7: {  	_ =	strace $0x8000004A;
	s4 =	sadd.s32 $0x1C9000, s3;
	s3 =	simm.s32 $0x3  }
0x8: {  	[tilespmem:s2], [sflag:$0x3] =	stream.linear.gather [hbm4b:s4+s2], $0x200, $0x38;
	[tilespmem:$0x10200] =	vst v63  }
0x9: {  	_ =	swait.ge [sflag:s3], $0x200  }
0xa: {  	s6 =	simm.s32 $0x100;
	[sflag:s3] =	ssyncset.done $0x0  }
0xb: {  	s7 =	simm.s32 $0x200;
	s5 =	sadd.s32 $0x105000, s10;
	[sflag:s3] =	ssyncadd.s32 $0xFFFFFE00  }
0xc: {  	[tilespmem:s7], [sflag:$0x1] =	stream.indirect.gather [hbm4b:s5+s6], $0x80, s2, s6, $0xb8;
	[tilespmem:$0x10200] =	vst v63  }
0xd: {  	s8 =	simm.s32 $0x8200;
	s9 =	simm.s32 $0x1  }
0xe: {  	[tilespmem:s8], [sflag:$0x2] =	stream.indirect.gather [hbm4b:s5+s6], $0x80, s6, s6, $0xb8;
	[tilespmem:$0x10200] =	vst v63  }
0xf: {  	s12 =	sshll.u32 s12, $0x4;
	_ =	swait.ge [sflag:s9], $0x8000  }
0x10: {  	s12 =	sadd.s32 s12, s10;
	[sflag:s9] =	ssyncset.done $0x0  }
0x11: {  	s13 =	ssub.s32 $0x2, s11;
	s10 =	sadd.s32 $0x1C9800, s12;
	[sflag:s9] =	ssyncadd.s32 $0xFFFF8000  }
0x12: {  	[hbm4b:s10+s2] =	stream.linear.scatter [tilespmem:s7], [sflag:$0x3], $0x8000, $0x38;
	[tilespmem:$0x10200] =	vst v63  }
0x13: {  	s14 =	sshrl.u32 s13, $0x1;
	_ =	swait.ge [sflag:s3], $0x8000  }
0x14: {  	s13 =	ssub.s32 s13, s14;
	[sflag:s3] =	ssyncset.done $0x0  }
0x15: {  	s11 =	simm.s32 $0x2;
	s13 =	smax.u32 s13, $0x1;
	[sflag:s3] =	ssyncadd.s32 $0xFFFF8000  }
0x16: {  	p0 =	sne.s32 s13, $0x1;
	_ =	swait.ge [sflag:s11], $0x8000  }
.Ltmp0:
0x17: {  	[sflag:s11] =	ssyncset.done $0x0;
	(pc) =	sbr.rel @!p0 .LBB2_2-.Ltmp0, $4  }
0x18: {  	s12 =	sadd.s32 $0x1CA800, s12;
	[sflag:s11] =	ssyncadd.s32 $0xFFFF8000  }
0x19: {  	[hbm4b:s12+s2] =	stream.linear.scatter [tilespmem:s8], [sflag:$0x3], $0x8000, $0x38;
	[tilespmem:$0x10200] =	vst v63  }
0x1a: {  	_ =	swait.ge [sflag:s3], $0x8000  }
0x1b: {  	s13 =	sadd.s32 $0xFFFFFFFF, s13;
	[sflag:s3] =	ssyncset.done $0x0  }
.LBB2_1:
0x1c: {  	p0 =	sne.s32 s13, $0x1;
	s13 =	sadd.s32 $0xFFFFFFFF, s13;
	[sflag:s3] =	ssyncadd.s32 $0xFFFF8000  }
0x1d: {  	[tilespmem:s2], [sflag:$0x3] =	stream.linear.gather [hbm4b:s4+s2], $0x200, $0x38;
	[tilespmem:$0x10200] =	vst v63  }
0x1e: {  	_ =	swait.ge [sflag:s3], $0x200  }
0x1f: {  	[sflag:s3] =	ssyncset.done $0x0  }
0x20: {  	[sflag:s3] =	ssyncadd.s32 $0xFFFFFE00  }
0x21: {  	[tilespmem:s7], [sflag:$0x1] =	stream.indirect.gather [hbm4b:s5+s6], $0x80, s2, s6, $0xb8;
	[tilespmem:$0x10200] =	vst v63  }
0x22: {  	_ = 	snop  }
0x23: {  	[tilespmem:s8], [sflag:$0x2] =	stream.indirect.gather [hbm4b:s5+s6], $0x80, s6, s6, $0xb8;
	[tilespmem:$0x10200] =	vst v63  }
0x24: {  	_ =	swait.ge [sflag:s9], $0x8000  }
0x25: {  	[sflag:s9] =	ssyncset.done $0x0  }
0x26: {  	[sflag:s9] =	ssyncadd.s32 $0xFFFF8000  }
0x27: {  	[hbm4b:s10+s2] =	stream.linear.scatter [tilespmem:s7], [sflag:$0x3], $0x8000, $0x38;
	[tilespmem:$0x10200] =	vst v63  }
0x28: {  	_ =	swait.ge [sflag:s3], $0x8000  }
0x29: {  	[sflag:s3] =	ssyncset.done $0x0  }
0x2a: {  	[sflag:s3] =	ssyncadd.s32 $0xFFFF8000  }
0x2b: {  	_ =	swait.ge [sflag:s11], $0x8000  }
.Ltmp1:
0x2c: {  	[sflag:s11] =	ssyncset.done $0x0;
	(pc) =	sbr.rel @p0 .LBB2_1-.Ltmp1, $4  }
0x2d: {  	[sflag:s11] =	ssyncadd.s32 $0xFFFF8000  }
0x2e: {  	[hbm4b:s12+s2] =	stream.linear.scatter [tilespmem:s8], [sflag:$0x3], $0x8000, $0x38;
	[tilespmem:$0x10200] =	vst v63  }
0x2f: {  	_ =	swait.ge [sflag:s3], $0x8000  }
0x30: {  	[sflag:s3] =	ssyncset.done $0x0  }
.LBB2_2:
0x31: {  	[sflag:s3] =	ssyncadd.s32 $0xFFFF8000  }
0x32: {  	_ =	sfence.sel $0x180000  }
0x33: {  	[bflag:$0x0] =	sbarrier.arrive $0xFFFF  }
0x34: {  	p0 =	sne.s32 s0, $0x0;
	_ =	strace $0x9000004A  }
0x35: {  	s0 =	sadd.s32 @!p0 $0x100000, s1;
	[bflag:$0x2] =	sbarrier.arrive $0xFFFF  }
0x36: {  	[sflag:s0] =	ssyncadd.tile.s32 @!p0 $0x1;
	_ =	shalt  }
.Lfunc_end2:
_tile_overlayer_lowered:
.L_overlay_start_2:
0x37: {  	(tag) =	ssettag $0x2  }
0x38: {  	s0 =	rddreg [dreg:$0x0];
	s2 =	stileid.u32  }
0x39: {  	s1 =	rddreg [dreg:$0x1];
	p0 =	sne.s32 s2, $0x0  }
0x3a: {  	s3 =	rddreg [dreg:$0x2];
	[bflag:$0x3] =	sbarrier.arrive $0xFFFF;
	s2 =	simm.s32 @!p0 $0x1C03  }
0x3b: {  	[timem:s3], [sflag:s2] =	dma.local @!p0 [hbm:s0], s1  }
0x3c: {  	s0 =	simm.s32 @!p0 $0x3  }
0x3d: {  	_ =	swait.ge @!p0 [sflag:s0], s1  }
0x3e: {  	s1 =	ssub.s32 @!p0 $0x0, s1;
	[sflag:s0] =	ssyncset.done @!p0 $0x0  }
0x3f: {  	[sflag:s0] =	ssyncadd.s32 @!p0 s1  }
0x40: {  	[bflag:$0x3] =	sbarrier.arrive $0xFFFF  }
0x41: {  	_ =	shalt  }

// kernel: kernel.8.cloned.1.call-start
scs
__scs_entry_jumppad:
0x0: {  	(pc) =	sbr.rel $0x88, $3  }
0x1: {  	(tag) =	ssettag $0x0;
	lr =	simm.s32 $0x1  }
0x2: {  	[smem:$0x3F9D] =	sst lr;
	_ =	strace $0xD0000000  }
0x3: {  	_ = 	snop  }
0x4: {  	_ = 	snop  }
0x5: {  	_ = 	snop  }
0x6: {  	_ = 	snop  }
0x7: {  	_ = 	snop  }
__scs_overlays_trampoline_lowered:
0x8: {  	[smem:$0x3FAC] =	sst s0  }
0x9: {  	[smem:$0x3FAD] =	sst s1  }
0xa: {  	[smem:$0x3FAE] =	sst s2  }
0xb: {  	[smem:$0x3FAF] =	sst s3  }
0xc: {  	[smem:$0x3FB0] =	sst s4  }
0xd: {  	[smem:$0x3FB1] =	sst s5  }
0xe: {  	[smem:$0x3FB2] =	sst s6  }
0xf: {  	[smem:$0x3FB3] =	sst s7  }
0x10: {  	[smem:$0x3FB4] =	sst s8  }
0x11: {  	[smem:$0x3FB5] =	sst s9;
	s0 =	simm.s32 @!p0 $0x0  }
0x12: {  	s1 =	sld [smem:$0x3F9B];
	s0 =	simm.s32 @p0 $0x1  }
0x13: {  	[smem:$0x3FB6] =	sst s0;
	s0 =	simm.s32 @!p1 $0x0  }
0x14: {  	s2 =	sld [smem:$0x3F9A];
	s0 =	simm.s32 @p1 $0x1  }
0x15: {  	[smem:$0x3FB7] =	sst s0;
	s0 =	simm.s32 @!p2 $0x0  }
0x16: {  	s3 =	sld [smem:$0x3FDB];
	s0 =	simm.s32 @p2 $0x1  }
0x17: {  	s4 =	simm.s32 $0x1BF5;
	[smem:$0x3FB9] =	sst s0  }
0x18: {  	s0 =	sld [smem:$0x3F9C];
	_ =	swait.ge [sflag:s4], $0x0  }
0x19: {  	s7 =	sld [smem:$0x3F9D]  }
0x1a: {  	s8 =	sadd.s32 $0xFFFFE003, lr  }
0x1b: {  	s9 =	sadd.s32 $0xFFFFFEF7, lr;
	s5 =	simm.s32 $0xFFFFFFFF;
	p2 =	slt.u32 s8, $0xFFFFF086  }
0x1c: {  	p1 =	slt.u32 s9, $0xF7A;
	s5 =	simm.s32 @!p2 $0x0  }
0x1d: {  	s5 =	simm.s32 @p1 $0x1;
	p0 =	seq.s32 s7, s2  }
0x1e: {  	s7 =	smul.u32 @!p0 $0xF7A, s2;
	p2 =	seq.s32 @!p0 s5, $0x0  }
0x1f: {  	s9 =	smul.u32 $0xF7A, s1;
	s8 =	simm.s32 @!p0 $0x1BF5;
	p2 =	por !p2, p0  }
0x20: {  	[sflag:s8] =	ssyncset.s32 @!p0 $0xFFFFF086;
	s6 =	sadd.s32 @!p0 s3, s7;
	s7 =	simm.s32 @!p0 $0x108  }
0x21: {  	s3 =	sadd.s32 s3, s9;
	s6 =	sadd.s32 @!p0 $0x88, s6;
	s7 =	simm.s32 @p2 $0x1082  }
0x22: {  	[simem:s7], [sflag:s8] =	dma.local @!p0 [hbm:s6], $0xF7A  }
0x23: {  	s9 =	sor.u32 $0xD0000000, s2;
	s6 =	simm.s32 $0x108;
	_ =	swait.ge @!p0 [sflag:s8], $0x0  }
0x24: {  	s3 =	sadd.s32 $0x88, s3;
	s6 =	simm.s32 @!p1 $0x1082;
	[sflag:s4] =	ssyncset.s32 $0xFFFFF086  }
0x25: {  	[simem:s6], [sflag:s4] =	dma.local [hbm:s3], $0xF7A  }
0x26: {  	[smem:$0x3F9D] =	sst s1;
	(tag) =	ssettag s2;
	_ =	strace s9  }
0x27: {  	s1 =	sld [smem:$0x3FAD]  }
0x28: {  	s2 =	sld [smem:$0x3FAE]  }
0x29: {  	s4 =	sld [smem:$0x3FB0]  }
0x2a: {  	p0 =	seq.s32 s5, $0x0;
	s5 =	sld [smem:$0x3FB1]  }
0x2b: {  	s6 =	sld [smem:$0x3FB2]  }
0x2c: {  	s7 =	sld [smem:$0x3FB3]  }
0x2d: {  	s3 =	simm.s32 $0x108;
	s8 =	sld [smem:$0x3FB4]  }
0x2e: {  	s3 =	simm.s32 @!p0 $0x1082;
	s9 =	sld [smem:$0x3FB5]  }
0x2f: {  	lr =	sadd.s32 s0, s3;
	s0 =	sld [smem:$0x3FAC]  }
0x30: {  	s3 =	sld [smem:$0x3FAF]  }
0x31: {  	[smem:$0x3FB8] =	sst s10  }
0x32: {  	s10 =	sld [smem:$0x3FB6];
	_ =	sdelay $0x3  }
0x33: {  	p0 =	seq.s32 s10, $0x1;
	s10 =	sld [smem:$0x3FB8];
	_ =	sdelay $0x3  }
0x34: {  	[smem:$0x3FB8] =	sst s10  }
0x35: {  	s10 =	sld [smem:$0x3FB7];
	_ =	sdelay $0x3  }
0x36: {  	p1 =	seq.s32 s10, $0x1;
	s10 =	sld [smem:$0x3FB8];
	_ =	sdelay $0x3  }
0x37: {  	[smem:$0x3FB8] =	sst s10  }
0x38: {  	s10 =	sld [smem:$0x3FB9]  }
0x39: {  	_ = 	snop;
	(pc) =	sbr.ind lr, $3  }
0x3a: {  	_ = 	snop  }
0x3b: {  	_ = 	snop  }
0x3c: {  	p2 =	seq.s32 s10, $0x1;
	s10 =	sld [smem:$0x3FB8]  }
0x3d: {  	_ =	shalt  }
0x3e: {  	_ =	shalt  }
0x3f: {  	_ =	shalt  }
0x40: {  	_ =	shalt  }
0x41: {  	_ =	shalt  }
0x42: {  	_ =	shalt  }
0x43: {  	_ =	shalt  }
0x44: {  	_ =	shalt  }
0x45: {  	_ =	shalt  }
0x46: {  	_ =	shalt  }
0x47: {  	_ =	shalt  }
0x48: {  	_ =	shalt  }
0x49: {  	_ =	shalt  }
0x4a: {  	_ =	shalt  }
0x4b: {  	_ =	shalt  }
0x4c: {  	_ =	shalt  }
0x4d: {  	_ =	shalt  }
0x4e: {  	_ =	shalt  }
0x4f: {  	_ =	shalt  }
0x50: {  	_ =	shalt  }
0x51: {  	_ =	shalt  }
0x52: {  	_ =	shalt  }
0x53: {  	_ =	shalt  }
0x54: {  	_ =	shalt  }
0x55: {  	_ =	shalt  }
0x56: {  	_ =	shalt  }
0x57: {  	_ =	shalt  }
0x58: {  	_ =	shalt  }
0x59: {  	_ =	shalt  }
0x5a: {  	_ =	shalt  }
0x5b: {  	_ =	shalt  }
0x5c: {  	_ =	shalt  }
0x5d: {  	_ =	shalt  }
0x5e: {  	_ =	shalt  }
0x5f: {  	_ =	shalt  }
0x60: {  	_ =	shalt  }
0x61: {  	_ =	shalt  }
0x62: {  	_ =	shalt  }
0x63: {  	_ =	shalt  }
0x64: {  	_ =	shalt  }
0x65: {  	_ =	shalt  }
0x66: {  	_ =	shalt  }
0x67: {  	_ =	shalt  }
0x68: {  	_ =	shalt  }
0x69: {  	_ =	shalt  }
0x6a: {  	_ =	shalt  }
0x6b: {  	_ =	shalt  }
0x6c: {  	_ =	shalt  }
0x6d: {  	_ =	shalt  }
0x6e: {  	_ =	shalt  }
0x6f: {  	_ =	shalt  }
0x70: {  	_ =	shalt  }
0x71: {  	_ =	shalt  }
0x72: {  	_ =	shalt  }
0x73: {  	_ =	shalt  }
0x74: {  	_ =	shalt  }
0x75: {  	_ =	shalt  }
0x76: {  	_ =	shalt  }
0x77: {  	_ =	shalt  }
0x78: {  	_ =	shalt  }
0x79: {  	_ =	shalt  }
0x7a: {  	_ =	shalt  }
0x7b: {  	_ =	shalt  }
0x7c: {  	_ =	shalt  }
0x7d: {  	_ =	shalt  }
0x7e: {  	_ =	shalt  }
0x7f: {  	_ =	shalt  }
0x80: {  	_ =	shalt  }
0x81: {  	_ =	shalt  }
0x82: {  	_ =	shalt  }
0x83: {  	_ =	shalt  }
0x84: {  	_ =	shalt  }
0x85: {  	_ =	shalt  }
0x86: {  	_ =	shalt  }
0x87: {  	_ =	shalt  }
.Lfunc_end0:
.L_simem_size_0:
called_computation_lowered:
.L_overlay_start_0:
0x88: {  	s2 =	sld [smem:$0x3FD9]  }
0x89: {  	s3 =	sld [smem:$0x3FFE];
	_ =	sdelay $0x1  }
0x8a: {  	s1 =	srdreg.scid  }
0x8b: {  	s0 =	sand.u32 $0x1, s1  }
0x8c: {  	s14 =	sshll.u32 s0, $0xA;
	s2 =	sadd.s32 s3, s2  }
0x8d: {  	s2 =	sadd.s32 s2, s14  }
0x8e: {  	[smem:$0x3FC4] =	sst s2  }
0x8f: {  	_ = 	snop  }
0x90: {  	s2 =	sld [smem:$0x3FD0];
	_ =	sdelay $0x2  }
0x91: {  	s15 =	simm.s32 $0xB;
	s4 =	simm.s32 $0x10  }
0x92: {  	[smem:s4], [sflag:s15] =	dma.local [hbm:s2], $0x1  }
0x93: {  	_ =	swait.eq [sflag:s15], $0x1  }
0x94: {  	[sflag:s15] =	ssyncset.done $0x0  }
0x95: {  	[sflag:s15] =	ssyncadd.s32 $0xFFFFFFFF  }
0x96: {  	s16 =	sld [smem:$0x11];
	(tm) =	ssettm $0x1  }
0x97: {  	s17 =	sld [smem:$0x3FFB];
	_ =	sdelay $0x3  }
0x98: {  	_ =	strace s17  }
0x99: {  	s3 =	sld [smem:$0x3FFC];
	_ =	sdelay $0x3  }
0x9a: {  	_ =	strace s3  }
0x9b: {  	s3 =	sld [smem:$0x3FFD];
	_ =	sdelay $0x3  }
0x9c: {  	_ =	strace s3  }
0x9d: {  	_ =	strace $0x8FFFFFFF  }
0x9e: {  	s18 =	sld [smem:$0x3FDB];
	_ =	sdelay $0x1  }
0x9f: {  	s19 =	simm.s32 $_scs_section_size  }
0xa0: {  	s5 =	simm.s32 $_size__tile_overlayer_lowered;
	s6 =	simm.s32 $_tile_overlayer_lowered  }
0xa1: {  	s22 =	simm.s32 $0x1BFF;
	s21 =	sshll.u32 s6, $0x1;
	s3 =	sadd.s32 s19, s18  }
0xa2: {  	s7 =	simm.s32 $0x0;
	s20 =	sshll.u32 s5, $0x1;
	s5 =	sadd.s32 s21, s3  }
0xa3: {  	[timem:s7], [sflag:s22] =	dma.local [hbm:s5], s20  }
0xa4: {  	_ =	swait.ge [sflag:s22], s20  }
0xa5: {  	s4 =	ssub.s32 $0x0, s20;
	[sflag:s22] =	ssyncset.done $0x0  }
0xa6: {  	[sflag:s22] =	ssyncadd.s32 s4;
	_ =	sdelay $0x1  }
0xa7: {  	s23 =	simm.s32 $0x1B8B  }
0xa8: {  	_ =	swait.ge [sflag:s23], $0x1  }
0xa9: {  	[sflag:s23] =	ssyncset.done $0x0  }
0xaa: {  	s25 =	simm.s32 $0x1B8E;
	s24 =	sld [smem:$0x3FFE];
	[sflag:s23] =	ssyncadd.s32 $0xFFFFFFFF  }
0xab: {  	s26 =	simm.s32 $execute0_lowered;
	[smem:$0x3FD2] =	sst s25  }
0xac: {  	s5 =	sshll.u32 s26, $0x1;
	_ =	strace $0x80000046;
	[dreg:$0x1] =	wrdreg $0xFFFFFFFF  }
0xad: {  	s28 =	simm.s32 $_size_execute0_lowered;
	s3 =	sadd.s32 s3, s5;
	[dreg:$0x0] =	wrdreg $0x0  }
0xae: {  	s5 =	sshll.u32 s28, $0x1;
	[dreg:$0x2] =	wrdreg s3  }
0xaf: {  	[dreg:$0x3] =	wrdreg s5  }
0xb0: {  	[dreg:$0x4] =	wrdreg $0xC0  }
0xb1: {  	_ =	task [dreg:s7], $0x5FFFF  }
0xb2: {  	[dreg:$0x1] =	wrdreg $0xFFFFFFFF  }
0xb3: {  	[dreg:$0x0] =	wrdreg $0x60  }
0xb4: {  	[dreg:$0x2] =	wrdreg s16  }
0xb5: {  	[dreg:$0x3] =	wrdreg s24  }
0xb6: {  	[dreg:$0x4] =	wrdreg $0x9  }
0xb7: {  	_ =	task.clear_ibuf [dreg:s7], $0x5FFFF;
	_ =	strace $0x90000046  }
0xb8: {  	s29 =	simm.s32 $0x9;
	_ =	strace $0x80000048  }
0xb9: {  	_ =	swait.ge [sflag:s29], $0x1  }
0xba: {  	[sflag:s29] =	ssyncadd.s32 $0xFFFFFFFF  }
0xbb: {  	_ =	strace $0x90000048  }
0xbc: {  	_ =	sfence  }
0xbd: {  	s30 =	sld [smem:$0x0];
	_ =	sdelay $0x2  }
0xbe: {  	s31 =	sshll.u32 s1, $0xD;
	s1 =	sshrl.u32 s1, $0x2  }
0xbf: {  	s3 =	sand.u32 $0x4000, s31;
	s1 =	sadd.s32 s1, s30  }
0xc0: {  	s0 =	sor.u32 s3, s0;
	s1 =	sshll.u32 s1, $0x11  }
0xc1: {  	s0 =	sor.u32 s1, s0  }
0xc2: {  	s0 =	sadd.s32 $0x8F2B, s0  }
0xc3: {  	[sflag:s0] =	ssyncadd.remote.s32 $0x1  }
0xc4: {  	_ =	sfence.sel $0xFFFF  }
0xc5: {  	[dreg:$0x0] =	wrdreg $0xFFFFFFFF;
	(pc) =	sbr.abs _section_cstart, $3  }
0xc6: {  	[dreg:$0x1] =	wrdreg $0xFFFFFFFF  }
0xc7: {  	_ =	task.clear_ibuf [dreg:s7], $0x2FFFF;
	_ =	strace $0x9FFFFFFF  }
0xc8: {  	(tm) =	ssettm $0x7FFFFFFF  }
0xc9: {  	_ =	shalt  }
tec
execute0_lowered:
.L_overlay_start_1:
0x0: {  	(tag) =	ssettag $0x1  }
0x1: {  	s1 =	srdreg.scid  }
0x2: {  	s3 =	rddreg [dreg:$0x0];
	s0 =	stileid.u32;
	s11 =	sand.u32 $0x1, s1  }
0x3: {  	s10 =	rddreg [dreg:$0x1];
	s4 =	sshll.u32 s0, $0xA;
	s5 =	sshll.u32 s11, $0x9  }
0x4: {  	s2 =	simm.s32 $0x0;
	s1 =	rddreg [dreg:$0x2];
	s12 =	sor.u32 s5, s4  }
0x5: {  	[smem:$0x7FF] =	sst s2;
	s4 =	sshrl.u32 s12, $0x3  }
0x6: {  	_ =	strace $0x80000047;
	s4 =	sadd.s32 s3, s4;
	s3 =	simm.s32 $0x3  }
0x7: {  	[tilespmem:s2], [sflag:$0x3] =	stream.linear.gather [hbm4b:s4+s2], $0x200, $0x38;
	[tilespmem:$0x10200] =	vst v63  }
0x8: {  	_ =	swait.ge [sflag:s3], $0x200  }
0x9: {  	s6 =	simm.s32 $0x100;
	[sflag:s3] =	ssyncset.done $0x0  }
0xa: {  	s7 =	simm.s32 $0x200;
	s5 =	sadd.s32 $0x1000, s10;
	[sflag:s3] =	ssyncadd.s32 $0xFFFFFE00  }
0xb: {  	[tilespmem:s7], [sflag:$0x1] =	stream.indirect.gather [hbm4b:s5+s6], $0x80, s2, s6, $0xb8;
	[tilespmem:$0x10200] =	vst v63  }
0xc: {  	s8 =	simm.s32 $0x8200;
	s9 =	simm.s32 $0x1  }
0xd: {  	[tilespmem:s8], [sflag:$0x2] =	stream.indirect.gather [hbm4b:s5+s6], $0x80, s6, s6, $0xb8;
	[tilespmem:$0x10200] =	vst v63  }
0xe: {  	s12 =	sshll.u32 s12, $0x4;
	_ =	swait.ge [sflag:s9], $0x8000  }
0xf: {  	s12 =	sadd.s32 s12, s10;
	[sflag:s9] =	ssyncset.done $0x0  }
0x10: {  	s13 =	ssub.s32 $0x2, s11;
	s10 =	sadd.s32 $0xC5000, s12;
	[sflag:s9] =	ssyncadd.s32 $0xFFFF8000  }
0x11: {  	[hbm4b:s10+s2] =	stream.linear.scatter [tilespmem:s7], [sflag:$0x3], $0x8000, $0x38;
	[tilespmem:$0x10200] =	vst v63  }
0x12: {  	s14 =	sshrl.u32 s13, $0x1;
	_ =	swait.ge [sflag:s3], $0x8000  }
0x13: {  	s13 =	ssub.s32 s13, s14;
	[sflag:s3] =	ssyncset.done $0x0  }
0x14: {  	s11 =	simm.s32 $0x2;
	s13 =	smax.u32 s13, $0x1;
	[sflag:s3] =	ssyncadd.s32 $0xFFFF8000  }
0x15: {  	p0 =	sne.s32 s13, $0x1;
	_ =	swait.ge [sflag:s11], $0x8000  }
.Ltmp0:
0x16: {  	[sflag:s11] =	ssyncset.done $0x0;
	(pc) =	sbr.rel @!p0 .LBB2_2-.Ltmp0, $4  }
0x17: {  	s12 =	sadd.s32 $0xC6000, s12;
	[sflag:s11] =	ssyncadd.s32 $0xFFFF8000  }
0x18: {  	[hbm4b:s12+s2] =	stream.linear.scatter [tilespmem:s8], [sflag:$0x3], $0x8000, $0x38;
	[tilespmem:$0x10200] =	vst v63  }
0x19: {  	_ =	swait.ge [sflag:s3], $0x8000  }
0x1a: {  	s13 =	sadd.s32 $0xFFFFFFFF, s13;
	[sflag:s3] =	ssyncset.done $0x0  }
.LBB2_1:
0x1b: {  	p0 =	sne.s32 s13, $0x1;
	s13 =	sadd.s32 $0xFFFFFFFF, s13;
	[sflag:s3] =	ssyncadd.s32 $0xFFFF8000  }
0x1c: {  	[tilespmem:s2], [sflag:$0x3] =	stream.linear.gather [hbm4b:s4+s2], $0x200, $0x38;
	[tilespmem:$0x10200] =	vst v63  }
0x1d: {  	_ =	swait.ge [sflag:s3], $0x200  }
0x1e: {  	[sflag:s3] =	ssyncset.done $0x0  }
0x1f: {  	[sflag:s3] =	ssyncadd.s32 $0xFFFFFE00  }
0x20: {  	[tilespmem:s7], [sflag:$0x1] =	stream.indirect.gather [hbm4b:s5+s6], $0x80, s2, s6, $0xb8;
	[tilespmem:$0x10200] =	vst v63  }
0x21: {  	_ = 	snop  }
0x22: {  	[tilespmem:s8], [sflag:$0x2] =	stream.indirect.gather [hbm4b:s5+s6], $0x80, s6, s6, $0xb8;
	[tilespmem:$0x10200] =	vst v63  }
0x23: {  	_ =	swait.ge [sflag:s9], $0x8000  }
0x24: {  	[sflag:s9] =	ssyncset.done $0x0  }
0x25: {  	[sflag:s9] =	ssyncadd.s32 $0xFFFF8000  }
0x26: {  	[hbm4b:s10+s2] =	stream.linear.scatter [tilespmem:s7], [sflag:$0x3], $0x8000, $0x38;
	[tilespmem:$0x10200] =	vst v63  }
0x27: {  	_ =	swait.ge [sflag:s3], $0x8000  }
0x28: {  	[sflag:s3] =	ssyncset.done $0x0  }
0x29: {  	[sflag:s3] =	ssyncadd.s32 $0xFFFF8000  }
0x2a: {  	_ =	swait.ge [sflag:s11], $0x8000  }
.Ltmp1:
0x2b: {  	[sflag:s11] =	ssyncset.done $0x0;
	(pc) =	sbr.rel @p0 .LBB2_1-.Ltmp1, $4  }
0x2c: {  	[sflag:s11] =	ssyncadd.s32 $0xFFFF8000  }
0x2d: {  	[hbm4b:s12+s2] =	stream.linear.scatter [tilespmem:s8], [sflag:$0x3], $0x8000, $0x38;
	[tilespmem:$0x10200] =	vst v63  }
0x2e: {  	_ =	swait.ge [sflag:s3], $0x8000  }
0x2f: {  	[sflag:s3] =	ssyncset.done $0x0  }
.LBB2_2:
0x30: {  	[sflag:s3] =	ssyncadd.s32 $0xFFFF8000  }
0x31: {  	_ =	sfence.sel $0x180000  }
0x32: {  	[bflag:$0x0] =	sbarrier.arrive $0xFFFF  }
0x33: {  	p0 =	sne.s32 s0, $0x0;
	_ =	strace $0x90000047  }
0x34: {  	s0 =	sadd.s32 @!p0 $0x100000, s1;
	[bflag:$0x2] =	sbarrier.arrive $0xFFFF  }
0x35: {  	[sflag:s0] =	ssyncadd.tile.s32 @!p0 $0x1;
	_ =	shalt  }
.Lfunc_end2:
_tile_overlayer_lowered:
.L_overlay_start_2:
0x36: {  	(tag) =	ssettag $0x2  }
0x37: {  	s0 =	rddreg [dreg:$0x0];
	s2 =	stileid.u32  }
0x38: {  	s1 =	rddreg [dreg:$0x1];
	p0 =	sne.s32 s2, $0x0  }
0x39: {  	s3 =	rddreg [dreg:$0x2];
	[bflag:$0x3] =	sbarrier.arrive $0xFFFF;
	s2 =	simm.s32 @!p0 $0x1C03  }
0x3a: {  	[timem:s3], [sflag:s2] =	dma.local @!p0 [hbm:s0], s1  }
0x3b: {  	s0 =	simm.s32 @!p0 $0x3  }
0x3c: {  	_ =	swait.ge @!p0 [sflag:s0], s1  }
0x3d: {  	s1 =	ssub.s32 @!p0 $0x0, s1;
	[sflag:s0] =	ssyncset.done @!p0 $0x0  }
0x3e: {  	[sflag:s0] =	ssyncadd.s32 @!p0 s1  }
0x3f: {  	[bflag:$0x3] =	sbarrier.arrive $0xFFFF  }
0x40: {  	_ =	shalt  }

</sc_bundles>
